<compile_context>
chip_gen: v7x
topology: tpu7x:2x2x1
jax: 0.10.2.dev20260603
libtpu: 0.0.44.dev20260713+nightly
codegen_flags: <defaults>
</compile_context>

<pallas_src>
import jax
import jax.numpy as jnp
from jax import lax
from jax.experimental import pallas as pl
from jax.experimental.pallas import tpu as pltpu
from jax.experimental.pallas import tpu_sc as plsc

_N = 1048576
_C = 64
_ROWS_IN = _N * _C // 128
_ROWS_OUT = _N * _C // 256
_NW = 32
_RPW = _ROWS_OUT // _NW
_CHUNK = 256
_NSUPER = _RPW // (2 * _CHUNK)


def _sc_body(tab_hbm, out_hbm, idx0, idx1, rows0, rows1, gsem0, gsem1, ssem0, ssem1):
    wid = lax.axis_index("s") * 2 + lax.axis_index("c")
    base = wid * _RPW

    def fill(idx_v, ci):
        def body(i, c2):
            k = base + ci * _CHUNK + i * 16 + lax.iota(jnp.int32, 16)
            og = k >> 16
            m = k & 7
            m4 = m & 3
            src = ((((og << 1) + (m >> 2)) << 16)
                   + (((k & 65535) >> 3) << 3)
                   + ((m4 >> 1) << 2) + (m4 & 1))
            idx_v[pl.ds(i * 16, 16)] = src
            return c2

        lax.fori_loop(0, _CHUNK // 16, body, 0)

    def store_desc(ci, rows_v, sem):
        return pltpu.make_async_copy(
            rows_v, out_hbm.at[pl.ds(base + ci * _CHUNK, _CHUNK), :], sem
        )

    def superstep(cs, carry):
        ci0 = 2 * cs
        ci1 = ci0 + 1

        @pl.when(cs >= 1)
        def _():
            store_desc(ci0 - 2, rows0, ssem0).wait()

        fill(idx0, ci0)
        g0 = pltpu.async_copy(tab_hbm.at[idx0], rows0, gsem0)

        @pl.when(cs >= 1)
        def _():
            store_desc(ci1 - 2, rows1, ssem1).wait()

        fill(idx1, ci1)
        g1 = pltpu.async_copy(tab_hbm.at[idx1], rows1, gsem1)

        g0.wait()
        store_desc(ci0, rows0, ssem0).start()
        g1.wait()
        store_desc(ci1, rows1, ssem1).start()
        return carry

    lax.fori_loop(0, _NSUPER, superstep, 0)
    store_desc(2 * _NSUPER - 2, rows0, ssem0).wait()
    store_desc(2 * _NSUPER - 1, rows1, ssem1).wait()


def kernel(h):
    n, c = h.shape
    tab = h.reshape(n // 128, 128, c // 8, 8).transpose(2, 0, 3, 1).reshape(_ROWS_IN, 128)
    mesh = plsc.VectorSubcoreMesh(core_axis_name="c", subcore_axis_name="s")
    out_tab = pl.kernel(
        _sc_body,
        out_type=jax.ShapeDtypeStruct((_ROWS_OUT, 128), jnp.float32),
        mesh=mesh,
        scratch_types=[
            pltpu.VMEM((_CHUNK,), jnp.int32),
            pltpu.VMEM((_CHUNK,), jnp.int32),
            pltpu.VMEM((_CHUNK, 128), jnp.float32),
            pltpu.VMEM((_CHUNK, 128), jnp.float32),
            pltpu.SemaphoreType.DMA,
            pltpu.SemaphoreType.DMA,
            pltpu.SemaphoreType.DMA,
            pltpu.SemaphoreType.DMA,
        ],
    )(tab)
    o4 = out_tab.reshape(c // 16, n // 128, 8, 128)
    return o4.transpose(1, 3, 0, 2).reshape(n, c // 2)

# --- scband reference (transcript-rebuilt; emitter-appended) ---
"""Pipeline reference for scband-lo-tdselect-23854248362339 (READ-ONLY COPY).

The authoritative reference and input builder live on the scoring server;
editing this copy changes nothing except your own understanding.
"""

import jax, jax.numpy as jnp
import numpy as np

LEVEL_N_FEATS = [4] * 16
LEVEL_SELECT_N_FEATS = 2
N_ENCODED_DIMS = 64
N_POINTS = 1048576

_excl = np.cumsum([0] + LEVEL_N_FEATS)
_feat_inds = np.concatenate([
    _excl[l] + np.arange(min(LEVEL_SELECT_N_FEATS, n))
    for l, n in enumerate(LEVEL_N_FEATS)
]).astype(np.int64)
FEAT_INDS = jnp.asarray(_feat_inds)


def setup_inputs(seed: int = 0) -> dict:
    key = jax.random.key(seed)
    h = jax.random.normal(key, (N_POINTS, N_ENCODED_DIMS), dtype=jnp.float32)
    return {"h": h}


def reference(h):
    # n_extra_embed_ch == 0 branch: select feature channels by index along last dim
    return jnp.take(h, FEAT_INDS, axis=-1)

if __name__ == "__main__":
    import jax
    _d = setup_inputs()
    print(jax.jit(kernel)(*tuple(_d.values())))

</pallas_src>

<mosaic_0001>
#map = affine_map<(d0, d1) -> (0, 0)>
module attributes {stable_mosaic.version = 14 : i64} {
  func.func @_sc_body(%arg0: i32, %arg1: i32, %arg2: memref<524288x128xf32, #tpu.memory_space<hbm>>, %arg3: memref<262144x128xf32, #tpu.memory_space<hbm>>, %arg4: memref<256xi32, #tpu.memory_space<vmem>>, %arg5: memref<256xi32, #tpu.memory_space<vmem>>, %arg6: memref<256x128xf32, #tpu.memory_space<vmem>>, %arg7: memref<256x128xf32, #tpu.memory_space<vmem>>, %arg8: memref<!tpu.dma_semaphore, #tpu.memory_space<semaphore_mem>>, %arg9: memref<!tpu.dma_semaphore, #tpu.memory_space<semaphore_mem>>, %arg10: memref<!tpu.dma_semaphore, #tpu.memory_space<semaphore_mem>>, %arg11: memref<!tpu.dma_semaphore, #tpu.memory_space<semaphore_mem>>) attributes {dimension_semantics = [#tpu.dimension_semantics<core_parallel>, #tpu.dimension_semantics<subcore_parallel>], iteration_bounds = array<i64: 2, 16>, scalar_prefetch = 0 : i64, scratch_operands = 8 : i64, tpu.core_type = #tpu.core_type<sc_vector_subcore>, window_params = [{transform_indices = #map}, {transform_indices = #map}]} {
    %mul3A = arith.constant 2 : i32
    %mul3A_0 = arith.muli %arg1, %mul3A : i32
    %add3A = arith.addi %mul3A_0, %arg0 : i32
    %mul3A_1 = arith.constant 8192 : i32
    %mul3A_2 = arith.muli %add3A, %mul3A_1 : i32
    %scan3A = arith.constant 0 : i32
    %scan3A_3 = arith.constant 0 : i32
    %scan3A_4 = arith.constant 16 : i32
    %scan3A_5 = arith.addi %scan3A_3, %scan3A_4 : i32
    %scan3A_6 = arith.constant 1 : i32
    scf.for %scan3A_19 = %scan3A_3 to %scan3A_5 step %scan3A_6  : i32 {
      %mul3A_20 = arith.constant 2 : i32
      %mul3A_21 = arith.muli %mul3A_20, %scan3A_19 : i32
      %add3A_22 = arith.constant 1 : i32
      %add3A_23 = arith.addi %mul3A_21, %add3A_22 : i32
      %ge3A = arith.constant 1 : i32
      %ge3A_24 = arith.cmpi sge, %scan3A_19, %ge3A : i32
      %convert_element_type3A = arith.extui %ge3A_24 : i1 to i32
      %cond3A = arith.constant 0 : i32
      %cond3A_25 = arith.cmpi ne, %convert_element_type3A, %cond3A : i32
      scf.if %cond3A_25 {
        %sub3A = arith.constant 2 : i32
        %sub3A_68 = arith.subi %mul3A_21, %sub3A : i32
        %mul3A_69 = arith.constant 256 : i32
        %mul3A_70 = arith.muli %sub3A_68, %mul3A_69 : i32
        %add3A_71 = arith.addi %mul3A_2, %mul3A_70 : i32
        %dma_wait3A_72 = arith.constant 0 : i32
        %dma_wait3A_73 = tpu.memref_slice %arg3[%add3A_71, %dma_wait3A_72] : memref<262144x128xf32, #tpu.memory_space<hbm>> -> memref<256x128xf32, #tpu.memory_space<hbm>>
        %dma_wait3A_74 = arith.constant 0 : i32
        %dma_wait3A_75 = tpu.memref_slice %arg3[%add3A_71, %dma_wait3A_74] : memref<262144x128xf32, #tpu.memory_space<hbm>> -> memref<256x128xf32, #tpu.memory_space<hbm>>
        tpu.wait_dma2 semaphore(%arg10 : memref<!tpu.dma_semaphore, #tpu.memory_space<semaphore_mem>>) src(%arg6 : memref<256x128xf32, #tpu.memory_space<vmem>>) dst(%dma_wait3A_75 : memref<256x128xf32, #tpu.memory_space<hbm>>)
      } else {
      }
      %scan3A_26 = arith.constant 0 : i32
      %scan3A_27 = arith.constant 0 : i32
      %scan3A_28 = arith.constant 16 : i32
      %scan3A_29 = arith.addi %scan3A_27, %scan3A_28 : i32
      %scan3A_30 = arith.constant 1 : i32
      scf.for %scan3A_68 = %scan3A_27 to %scan3A_29 step %scan3A_30  : i32 {
        %mul3A_69 = arith.constant 256 : i32
        %mul3A_70 = arith.muli %mul3A_21, %mul3A_69 : i32
        %add3A_71 = arith.addi %mul3A_2, %mul3A_70 : i32
        %mul3A_72 = arith.constant 16 : i32
        %mul3A_73 = arith.muli %scan3A_68, %mul3A_72 : i32
        %add3A_74 = arith.addi %add3A_71, %mul3A_73 : i32
        %iota3A = tpu.iota {dimensions = array<i32: 0>} : vector<16xi32>
        %add3A_75 = vector.broadcast %add3A_74 : i32 to vector<16xi32>
        %add3A_76 = arith.addi %add3A_75, %iota3A : vector<16xi32>
        %shift_right_arithmetic3A = arith.constant 16 : i32
        %shift_right_arithmetic3A_77 = vector.broadcast %shift_right_arithmetic3A : i32 to vector<16xi32>
        %shift_right_arithmetic3A_78 = arith.shrsi %add3A_76, %shift_right_arithmetic3A_77 : vector<16xi32>
        %and3A = arith.constant 7 : i32
        %and3A_79 = vector.broadcast %and3A : i32 to vector<16xi32>
        %and3A_80 = arith.andi %add3A_76, %and3A_79 : vector<16xi32>
        %and3A_81 = arith.constant 3 : i32
        %and3A_82 = vector.broadcast %and3A_81 : i32 to vector<16xi32>
        %and3A_83 = arith.andi %and3A_80, %and3A_82 : vector<16xi32>
        %shift_left3A = arith.constant 1 : i32
        %shift_left3A_84 = vector.broadcast %shift_left3A : i32 to vector<16xi32>
        %shift_left3A_85 = arith.shli %shift_right_arithmetic3A_78, %shift_left3A_84 : vector<16xi32>
        %shift_right_arithmetic3A_86 = arith.constant 2 : i32
        %shift_right_arithmetic3A_87 = vector.broadcast %shift_right_arithmetic3A_86 : i32 to vector<16xi32>
        %shift_right_arithmetic3A_88 = arith.shrsi %and3A_80, %shift_right_arithmetic3A_87 : vector<16xi32>
        %add3A_89 = arith.addi %shift_left3A_85, %shift_right_arithmetic3A_88 : vector<16xi32>
        %shift_left3A_90 = arith.constant 16 : i32
        %shift_left3A_91 = vector.broadcast %shift_left3A_90 : i32 to vector<16xi32>
        %shift_left3A_92 = arith.shli %add3A_89, %shift_left3A_91 : vector<16xi32>
        %and3A_93 = arith.constant 65535 : i32
        %and3A_94 = vector.broadcast %and3A_93 : i32 to vector<16xi32>
        %and3A_95 = arith.andi %add3A_76, %and3A_94 : vector<16xi32>
        %shift_right_arithmetic3A_96 = arith.constant 3 : i32
        %shift_right_arithmetic3A_97 = vector.broadcast %shift_right_arithmetic3A_96 : i32 to vector<16xi32>
        %shift_right_arithmetic3A_98 = arith.shrsi %and3A_95, %shift_right_arithmetic3A_97 : vector<16xi32>
        %shift_left3A_99 = arith.constant 3 : i32
        %shift_left3A_100 = vector.broadcast %shift_left3A_99 : i32 to vector<16xi32>
        %shift_left3A_101 = arith.shli %shift_right_arithmetic3A_98, %shift_left3A_100 : vector<16xi32>
        %add3A_102 = arith.addi %shift_left3A_92, %shift_left3A_101 : vector<16xi32>
        %shift_right_arithmetic3A_103 = arith.constant 1 : i32
        %shift_right_arithmetic3A_104 = vector.broadcast %shift_right_arithmetic3A_103 : i32 to vector<16xi32>
        %shift_right_arithmetic3A_105 = arith.shrsi %and3A_83, %shift_right_arithmetic3A_104 : vector<16xi32>
        %shift_left3A_106 = arith.constant 2 : i32
        %shift_left3A_107 = vector.broadcast %shift_left3A_106 : i32 to vector<16xi32>
        %shift_left3A_108 = arith.shli %shift_right_arithmetic3A_105, %shift_left3A_107 : vector<16xi32>
        %add3A_109 = arith.addi %add3A_102, %shift_left3A_108 : vector<16xi32>
        %and3A_110 = arith.constant 1 : i32
        %and3A_111 = vector.broadcast %and3A_110 : i32 to vector<16xi32>
        %and3A_112 = arith.andi %and3A_83, %and3A_111 : vector<16xi32>
        %add3A_113 = arith.addi %add3A_109, %and3A_112 : vector<16xi32>
        %mul3A_114 = arith.constant 16 : i32
        %mul3A_115 = arith.muli %scan3A_68, %mul3A_114 : i32
        %swap3A = arith.index_cast %mul3A_115 : i32 to index
        %swap3A_116 = tpu.vector_load %arg4[%swap3A] {strides = array<i32>} : memref<256xi32, #tpu.memory_space<vmem>>, vector<16xi32>,
        %swap3A_117 = vector.shape_cast %swap3A_116 : vector<16xi32> to vector<16xi32>
        %swap3A_118 = vector.shape_cast %add3A_113 : vector<16xi32> to vector<16xi32>
        tpu.vector_store %arg4[%swap3A], %swap3A_118 {strides = array<i32>} : memref<256xi32, #tpu.memory_space<vmem>>, vector<16xi32>,
      }
      %scan3A_31 = arith.constant 16 : i32
      %dma_start3A = arith.constant 0 : i32
      %dma_start3A_32 = arith.constant 0 : i32
      %dma_start3A_33 = tpu.memref_slice %arg2[%dma_start3A, %dma_start3A_32] : memref<524288x128xf32, #tpu.memory_space<hbm>> -> memref<524288x128xf32, #tpu.memory_space<hbm>>
      tpu.enqueue_indirect_dma source(%dma_start3A_33 : memref<524288x128xf32, #tpu.memory_space<hbm>>) target(%arg6 : memref<256x128xf32, #tpu.memory_space<vmem>>) offsets(%arg4 : memref<256xi32, #tpu.memory_space<vmem>>) semaphore(%arg8 : memref<!tpu.dma_semaphore, #tpu.memory_space<semaphore_mem>>)
      %ge3A_34 = arith.constant 1 : i32
      %ge3A_35 = arith.cmpi sge, %scan3A_19, %ge3A_34 : i32
      %convert_element_type3A_36 = arith.extui %ge3A_35 : i1 to i32
      %cond3A_37 = arith.constant 0 : i32
      %cond3A_38 = arith.cmpi ne, %convert_element_type3A_36, %cond3A_37 : i32
      scf.if %cond3A_38 {
        %sub3A = arith.constant 2 : i32
        %sub3A_68 = arith.subi %add3A_23, %sub3A : i32
        %mul3A_69 = arith.constant 256 : i32
        %mul3A_70 = arith.muli %sub3A_68, %mul3A_69 : i32
        %add3A_71 = arith.addi %mul3A_2, %mul3A_70 : i32
        %dma_wait3A_72 = arith.constant 0 : i32
        %dma_wait3A_73 = tpu.memref_slice %arg3[%add3A_71, %dma_wait3A_72] : memref<262144x128xf32, #tpu.memory_space<hbm>> -> memref<256x128xf32, #tpu.memory_space<hbm>>
        %dma_wait3A_74 = arith.constant 0 : i32
        %dma_wait3A_75 = tpu.memref_slice %arg3[%add3A_71, %dma_wait3A_74] : memref<262144x128xf32, #tpu.memory_space<hbm>> -> memref<256x128xf32, #tpu.memory_space<hbm>>
        tpu.wait_dma2 semaphore(%arg11 : memref<!tpu.dma_semaphore, #tpu.memory_space<semaphore_mem>>) src(%arg7 : memref<256x128xf32, #tpu.memory_space<vmem>>) dst(%dma_wait3A_75 : memref<256x128xf32, #tpu.memory_space<hbm>>)
      } else {
      }
      %scan3A_39 = arith.constant 0 : i32
      %scan3A_40 = arith.constant 0 : i32
      %scan3A_41 = arith.constant 16 : i32
      %scan3A_42 = arith.addi %scan3A_40, %scan3A_41 : i32
      %scan3A_43 = arith.constant 1 : i32
      scf.for %scan3A_68 = %scan3A_40 to %scan3A_42 step %scan3A_43  : i32 {
        %mul3A_69 = arith.constant 256 : i32
        %mul3A_70 = arith.muli %add3A_23, %mul3A_69 : i32
        %add3A_71 = arith.addi %mul3A_2, %mul3A_70 : i32
        %mul3A_72 = arith.constant 16 : i32
        %mul3A_73 = arith.muli %scan3A_68, %mul3A_72 : i32
        %add3A_74 = arith.addi %add3A_71, %mul3A_73 : i32
        %iota3A = tpu.iota {dimensions = array<i32: 0>} : vector<16xi32>
        %add3A_75 = vector.broadcast %add3A_74 : i32 to vector<16xi32>
        %add3A_76 = arith.addi %add3A_75, %iota3A : vector<16xi32>
        %shift_right_arithmetic3A = arith.constant 16 : i32
        %shift_right_arithmetic3A_77 = vector.broadcast %shift_right_arithmetic3A : i32 to vector<16xi32>
        %shift_right_arithmetic3A_78 = arith.shrsi %add3A_76, %shift_right_arithmetic3A_77 : vector<16xi32>
        %and3A = arith.constant 7 : i32
        %and3A_79 = vector.broadcast %and3A : i32 to vector<16xi32>
        %and3A_80 = arith.andi %add3A_76, %and3A_79 : vector<16xi32>
        %and3A_81 = arith.constant 3 : i32
        %and3A_82 = vector.broadcast %and3A_81 : i32 to vector<16xi32>
        %and3A_83 = arith.andi %and3A_80, %and3A_82 : vector<16xi32>
        %shift_left3A = arith.constant 1 : i32
        %shift_left3A_84 = vector.broadcast %shift_left3A : i32 to vector<16xi32>
        %shift_left3A_85 = arith.shli %shift_right_arithmetic3A_78, %shift_left3A_84 : vector<16xi32>
        %shift_right_arithmetic3A_86 = arith.constant 2 : i32
        %shift_right_arithmetic3A_87 = vector.broadcast %shift_right_arithmetic3A_86 : i32 to vector<16xi32>
        %shift_right_arithmetic3A_88 = arith.shrsi %and3A_80, %shift_right_arithmetic3A_87 : vector<16xi32>
        %add3A_89 = arith.addi %shift_left3A_85, %shift_right_arithmetic3A_88 : vector<16xi32>
        %shift_left3A_90 = arith.constant 16 : i32
        %shift_left3A_91 = vector.broadcast %shift_left3A_90 : i32 to vector<16xi32>
        %shift_left3A_92 = arith.shli %add3A_89, %shift_left3A_91 : vector<16xi32>
        %and3A_93 = arith.constant 65535 : i32
        %and3A_94 = vector.broadcast %and3A_93 : i32 to vector<16xi32>
        %and3A_95 = arith.andi %add3A_76, %and3A_94 : vector<16xi32>
        %shift_right_arithmetic3A_96 = arith.constant 3 : i32
        %shift_right_arithmetic3A_97 = vector.broadcast %shift_right_arithmetic3A_96 : i32 to vector<16xi32>
        %shift_right_arithmetic3A_98 = arith.shrsi %and3A_95, %shift_right_arithmetic3A_97 : vector<16xi32>
        %shift_left3A_99 = arith.constant 3 : i32
        %shift_left3A_100 = vector.broadcast %shift_left3A_99 : i32 to vector<16xi32>
        %shift_left3A_101 = arith.shli %shift_right_arithmetic3A_98, %shift_left3A_100 : vector<16xi32>
        %add3A_102 = arith.addi %shift_left3A_92, %shift_left3A_101 : vector<16xi32>
        %shift_right_arithmetic3A_103 = arith.constant 1 : i32
        %shift_right_arithmetic3A_104 = vector.broadcast %shift_right_arithmetic3A_103 : i32 to vector<16xi32>
        %shift_right_arithmetic3A_105 = arith.shrsi %and3A_83, %shift_right_arithmetic3A_104 : vector<16xi32>
        %shift_left3A_106 = arith.constant 2 : i32
        %shift_left3A_107 = vector.broadcast %shift_left3A_106 : i32 to vector<16xi32>
        %shift_left3A_108 = arith.shli %shift_right_arithmetic3A_105, %shift_left3A_107 : vector<16xi32>
        %add3A_109 = arith.addi %add3A_102, %shift_left3A_108 : vector<16xi32>
        %and3A_110 = arith.constant 1 : i32
        %and3A_111 = vector.broadcast %and3A_110 : i32 to vector<16xi32>
        %and3A_112 = arith.andi %and3A_83, %and3A_111 : vector<16xi32>
        %add3A_113 = arith.addi %add3A_109, %and3A_112 : vector<16xi32>
        %mul3A_114 = arith.constant 16 : i32
        %mul3A_115 = arith.muli %scan3A_68, %mul3A_114 : i32
        %swap3A = arith.index_cast %mul3A_115 : i32 to index
        %swap3A_116 = tpu.vector_load %arg5[%swap3A] {strides = array<i32>} : memref<256xi32, #tpu.memory_space<vmem>>, vector<16xi32>,
        %swap3A_117 = vector.shape_cast %swap3A_116 : vector<16xi32> to vector<16xi32>
        %swap3A_118 = vector.shape_cast %add3A_113 : vector<16xi32> to vector<16xi32>
        tpu.vector_store %arg5[%swap3A], %swap3A_118 {strides = array<i32>} : memref<256xi32, #tpu.memory_space<vmem>>, vector<16xi32>,
      }
      %scan3A_44 = arith.constant 16 : i32
      %dma_start3A_45 = arith.constant 0 : i32
      %dma_start3A_46 = arith.constant 0 : i32
      %dma_start3A_47 = tpu.memref_slice %arg2[%dma_start3A_45, %dma_start3A_46] : memref<524288x128xf32, #tpu.memory_space<hbm>> -> memref<524288x128xf32, #tpu.memory_space<hbm>>
      tpu.enqueue_indirect_dma source(%dma_start3A_47 : memref<524288x128xf32, #tpu.memory_space<hbm>>) target(%arg7 : memref<256x128xf32, #tpu.memory_space<vmem>>) offsets(%arg5 : memref<256xi32, #tpu.memory_space<vmem>>) semaphore(%arg9 : memref<!tpu.dma_semaphore, #tpu.memory_space<semaphore_mem>>)
      %dma_wait3A_48 = arith.constant 0 : i32
      %dma_wait3A_49 = arith.constant 0 : i32
      %dma_wait3A_50 = tpu.memref_slice %arg2[%dma_wait3A_48, %dma_wait3A_49] : memref<524288x128xf32, #tpu.memory_space<hbm>> -> memref<524288x128xf32, #tpu.memory_space<hbm>>
      tpu.wait_indirect_dma semaphore(%arg8 : memref<!tpu.dma_semaphore, #tpu.memory_space<semaphore_mem>>) src(%dma_wait3A_50 : memref<524288x128xf32, #tpu.memory_space<hbm>>) dst(%arg6 : memref<256x128xf32, #tpu.memory_space<vmem>>)
      %mul3A_51 = arith.constant 256 : i32
      %mul3A_52 = arith.muli %mul3A_21, %mul3A_51 : i32
      %add3A_53 = arith.addi %mul3A_2, %mul3A_52 : i32
      %dma_start3A_54 = arith.constant 0 : i32
      %dma_start3A_55 = tpu.memref_slice %arg3[%add3A_53, %dma_start3A_54] : memref<262144x128xf32, #tpu.memory_space<hbm>> -> memref<256x128xf32, #tpu.memory_space<hbm>>
      %dma_start3A_56 = arith.constant 0 : i32
      %dma_start3A_57 = tpu.memref_slice %arg3[%add3A_53, %dma_start3A_56] : memref<262144x128xf32, #tpu.memory_space<hbm>> -> memref<256x128xf32, #tpu.memory_space<hbm>>
      tpu.enqueue_dma source(%arg6 : memref<256x128xf32, #tpu.memory_space<vmem>>) target(%dma_start3A_57 : memref<256x128xf32, #tpu.memory_space<hbm>>) target_semaphore(%arg10 : memref<!tpu.dma_semaphore, #tpu.memory_space<semaphore_mem>>)
      %dma_wait3A_58 = arith.constant 0 : i32
      %dma_wait3A_59 = arith.constant 0 : i32
      %dma_wait3A_60 = tpu.memref_slice %arg2[%dma_wait3A_58, %dma_wait3A_59] : memref<524288x128xf32, #tpu.memory_space<hbm>> -> memref<524288x128xf32, #tpu.memory_space<hbm>>
      tpu.wait_indirect_dma semaphore(%arg9 : memref<!tpu.dma_semaphore, #tpu.memory_space<semaphore_mem>>) src(%dma_wait3A_60 : memref<524288x128xf32, #tpu.memory_space<hbm>>) dst(%arg7 : memref<256x128xf32, #tpu.memory_space<vmem>>)
      %mul3A_61 = arith.constant 256 : i32
      %mul3A_62 = arith.muli %add3A_23, %mul3A_61 : i32
      %add3A_63 = arith.addi %mul3A_2, %mul3A_62 : i32
      %dma_start3A_64 = arith.constant 0 : i32
      %dma_start3A_65 = tpu.memref_slice %arg3[%add3A_63, %dma_start3A_64] : memref<262144x128xf32, #tpu.memory_space<hbm>> -> memref<256x128xf32, #tpu.memory_space<hbm>>
      %dma_start3A_66 = arith.constant 0 : i32
      %dma_start3A_67 = tpu.memref_slice %arg3[%add3A_63, %dma_start3A_66] : memref<262144x128xf32, #tpu.memory_space<hbm>> -> memref<256x128xf32, #tpu.memory_space<hbm>>
      tpu.enqueue_dma source(%arg7 : memref<256x128xf32, #tpu.memory_space<vmem>>) target(%dma_start3A_67 : memref<256x128xf32, #tpu.memory_space<hbm>>) target_semaphore(%arg11 : memref<!tpu.dma_semaphore, #tpu.memory_space<semaphore_mem>>)
    }
    %scan3A_7 = arith.constant 16 : i32
    %add3A_8 = arith.constant 7680 : i32
    %add3A_9 = arith.addi %mul3A_2, %add3A_8 : i32
    %dma_wait3A = arith.constant 0 : i32
    %dma_wait3A_10 = tpu.memref_slice %arg3[%add3A_9, %dma_wait3A] : memref<262144x128xf32, #tpu.memory_space<hbm>> -> memref<256x128xf32, #tpu.memory_space<hbm>>
    %dma_wait3A_11 = arith.constant 0 : i32
    %dma_wait3A_12 = tpu.memref_slice %arg3[%add3A_9, %dma_wait3A_11] : memref<262144x128xf32, #tpu.memory_space<hbm>> -> memref<256x128xf32, #tpu.memory_space<hbm>>
    tpu.wait_dma2 semaphore(%arg10 : memref<!tpu.dma_semaphore, #tpu.memory_space<semaphore_mem>>) src(%arg6 : memref<256x128xf32, #tpu.memory_space<vmem>>) dst(%dma_wait3A_12 : memref<256x128xf32, #tpu.memory_space<hbm>>)
    %add3A_13 = arith.constant 7936 : i32
    %add3A_14 = arith.addi %mul3A_2, %add3A_13 : i32
    %dma_wait3A_15 = arith.constant 0 : i32
    %dma_wait3A_16 = tpu.memref_slice %arg3[%add3A_14, %dma_wait3A_15] : memref<262144x128xf32, #tpu.memory_space<hbm>> -> memref<256x128xf32, #tpu.memory_space<hbm>>
    %dma_wait3A_17 = arith.constant 0 : i32
    %dma_wait3A_18 = tpu.memref_slice %arg3[%add3A_14, %dma_wait3A_17] : memref<262144x128xf32, #tpu.memory_space<hbm>> -> memref<256x128xf32, #tpu.memory_space<hbm>>
    tpu.wait_dma2 semaphore(%arg11 : memref<!tpu.dma_semaphore, #tpu.memory_space<semaphore_mem>>) src(%arg7 : memref<256x128xf32, #tpu.memory_space<vmem>>) dst(%dma_wait3A_18 : memref<256x128xf32, #tpu.memory_space<hbm>>)
    return
  }
}

</mosaic_0001>

<sc_bundles>
// kernel: kernel.3.cloned.1.call-start
scs
__scs_entry_jumppad:
0x0: {  	(pc) =	sbr.rel $0x88, $3  }
0x1: {  	(tag) =	ssettag $0x0;
	lr =	simm.s32 $0x1  }
0x2: {  	[smem:$0x3FA0] =	sst lr;
	_ =	strace $0xD0000000  }
0x3: {  	_ = 	snop  }
0x4: {  	_ = 	snop  }
0x5: {  	_ = 	snop  }
0x6: {  	_ = 	snop  }
0x7: {  	_ = 	snop  }
__scs_overlays_trampoline_lowered:
0x8: {  	[smem:$0x3FAF] =	sst s0  }
0x9: {  	[smem:$0x3FB0] =	sst s1  }
0xa: {  	[smem:$0x3FB1] =	sst s2  }
0xb: {  	[smem:$0x3FB2] =	sst s3  }
0xc: {  	[smem:$0x3FB3] =	sst s4  }
0xd: {  	[smem:$0x3FB4] =	sst s5  }
0xe: {  	[smem:$0x3FB5] =	sst s6  }
0xf: {  	[smem:$0x3FB6] =	sst s7  }
0x10: {  	[smem:$0x3FB7] =	sst s8  }
0x11: {  	[smem:$0x3FB8] =	sst s9;
	s0 =	simm.s32 @!p0 $0x0  }
0x12: {  	s1 =	sld [smem:$0x3F9E];
	s0 =	simm.s32 @p0 $0x1  }
0x13: {  	[smem:$0x3FB9] =	sst s0;
	s0 =	simm.s32 @!p1 $0x0  }
0x14: {  	s2 =	sld [smem:$0x3F9D];
	s0 =	simm.s32 @p1 $0x1  }
0x15: {  	[smem:$0x3FBA] =	sst s0;
	s0 =	simm.s32 @!p2 $0x0  }
0x16: {  	s3 =	sld [smem:$0x3FDB];
	s0 =	simm.s32 @p2 $0x1  }
0x17: {  	s4 =	simm.s32 $0x1BF5;
	[smem:$0x3FBC] =	sst s0  }
0x18: {  	s0 =	sld [smem:$0x3F9F];
	_ =	swait.ge [sflag:s4], $0x0  }
0x19: {  	s7 =	sld [smem:$0x3FA0]  }
0x1a: {  	s8 =	sadd.s32 $0xFFFFE003, lr  }
0x1b: {  	s9 =	sadd.s32 $0xFFFFFEF7, lr;
	s5 =	simm.s32 $0xFFFFFFFF;
	p2 =	slt.u32 s8, $0xFFFFF086  }
0x1c: {  	p1 =	slt.u32 s9, $0xF7A;
	s5 =	simm.s32 @!p2 $0x0  }
0x1d: {  	s5 =	simm.s32 @p1 $0x1;
	p0 =	seq.s32 s7, s2  }
0x1e: {  	s7 =	smul.u32 @!p0 $0xF7A, s2;
	p2 =	seq.s32 @!p0 s5, $0x0  }
0x1f: {  	s9 =	smul.u32 $0xF7A, s1;
	s8 =	simm.s32 @!p0 $0x1BF5;
	p2 =	por !p2, p0  }
0x20: {  	[sflag:s8] =	ssyncset.s32 @!p0 $0xFFFFF086;
	s6 =	sadd.s32 @!p0 s3, s7;
	s7 =	simm.s32 @!p0 $0x108  }
0x21: {  	s3 =	sadd.s32 s3, s9;
	s6 =	sadd.s32 @!p0 $0x88, s6;
	s7 =	simm.s32 @p2 $0x1082  }
0x22: {  	[simem:s7], [sflag:s8] =	dma.local @!p0 [hbm:s6], $0xF7A  }
0x23: {  	s9 =	sor.u32 $0xD0000000, s2;
	s6 =	simm.s32 $0x108;
	_ =	swait.ge @!p0 [sflag:s8], $0x0  }
0x24: {  	s3 =	sadd.s32 $0x88, s3;
	s6 =	simm.s32 @!p1 $0x1082;
	[sflag:s4] =	ssyncset.s32 $0xFFFFF086  }
0x25: {  	[simem:s6], [sflag:s4] =	dma.local [hbm:s3], $0xF7A  }
0x26: {  	[smem:$0x3FA0] =	sst s1;
	(tag) =	ssettag s2;
	_ =	strace s9  }
0x27: {  	s1 =	sld [smem:$0x3FB0]  }
0x28: {  	s2 =	sld [smem:$0x3FB1]  }
0x29: {  	s4 =	sld [smem:$0x3FB3]  }
0x2a: {  	p0 =	seq.s32 s5, $0x0;
	s5 =	sld [smem:$0x3FB4]  }
0x2b: {  	s6 =	sld [smem:$0x3FB5]  }
0x2c: {  	s7 =	sld [smem:$0x3FB6]  }
0x2d: {  	s3 =	simm.s32 $0x108;
	s8 =	sld [smem:$0x3FB7]  }
0x2e: {  	s3 =	simm.s32 @!p0 $0x1082;
	s9 =	sld [smem:$0x3FB8]  }
0x2f: {  	lr =	sadd.s32 s0, s3;
	s0 =	sld [smem:$0x3FAF]  }
0x30: {  	s3 =	sld [smem:$0x3FB2]  }
0x31: {  	[smem:$0x3FBB] =	sst s10  }
0x32: {  	s10 =	sld [smem:$0x3FB9];
	_ =	sdelay $0x3  }
0x33: {  	p0 =	seq.s32 s10, $0x1;
	s10 =	sld [smem:$0x3FBB];
	_ =	sdelay $0x3  }
0x34: {  	[smem:$0x3FBB] =	sst s10  }
0x35: {  	s10 =	sld [smem:$0x3FBA];
	_ =	sdelay $0x3  }
0x36: {  	p1 =	seq.s32 s10, $0x1;
	s10 =	sld [smem:$0x3FBB];
	_ =	sdelay $0x3  }
0x37: {  	[smem:$0x3FBB] =	sst s10  }
0x38: {  	s10 =	sld [smem:$0x3FBC]  }
0x39: {  	_ = 	snop;
	(pc) =	sbr.ind lr, $3  }
0x3a: {  	_ = 	snop  }
0x3b: {  	_ = 	snop  }
0x3c: {  	p2 =	seq.s32 s10, $0x1;
	s10 =	sld [smem:$0x3FBB]  }
0x3d: {  	_ =	shalt  }
0x3e: {  	_ =	shalt  }
0x3f: {  	_ =	shalt  }
0x40: {  	_ =	shalt  }
0x41: {  	_ =	shalt  }
0x42: {  	_ =	shalt  }
0x43: {  	_ =	shalt  }
0x44: {  	_ =	shalt  }
0x45: {  	_ =	shalt  }
0x46: {  	_ =	shalt  }
0x47: {  	_ =	shalt  }
0x48: {  	_ =	shalt  }
0x49: {  	_ =	shalt  }
0x4a: {  	_ =	shalt  }
0x4b: {  	_ =	shalt  }
0x4c: {  	_ =	shalt  }
0x4d: {  	_ =	shalt  }
0x4e: {  	_ =	shalt  }
0x4f: {  	_ =	shalt  }
0x50: {  	_ =	shalt  }
0x51: {  	_ =	shalt  }
0x52: {  	_ =	shalt  }
0x53: {  	_ =	shalt  }
0x54: {  	_ =	shalt  }
0x55: {  	_ =	shalt  }
0x56: {  	_ =	shalt  }
0x57: {  	_ =	shalt  }
0x58: {  	_ =	shalt  }
0x59: {  	_ =	shalt  }
0x5a: {  	_ =	shalt  }
0x5b: {  	_ =	shalt  }
0x5c: {  	_ =	shalt  }
0x5d: {  	_ =	shalt  }
0x5e: {  	_ =	shalt  }
0x5f: {  	_ =	shalt  }
0x60: {  	_ =	shalt  }
0x61: {  	_ =	shalt  }
0x62: {  	_ =	shalt  }
0x63: {  	_ =	shalt  }
0x64: {  	_ =	shalt  }
0x65: {  	_ =	shalt  }
0x66: {  	_ =	shalt  }
0x67: {  	_ =	shalt  }
0x68: {  	_ =	shalt  }
0x69: {  	_ =	shalt  }
0x6a: {  	_ =	shalt  }
0x6b: {  	_ =	shalt  }
0x6c: {  	_ =	shalt  }
0x6d: {  	_ =	shalt  }
0x6e: {  	_ =	shalt  }
0x6f: {  	_ =	shalt  }
0x70: {  	_ =	shalt  }
0x71: {  	_ =	shalt  }
0x72: {  	_ =	shalt  }
0x73: {  	_ =	shalt  }
0x74: {  	_ =	shalt  }
0x75: {  	_ =	shalt  }
0x76: {  	_ =	shalt  }
0x77: {  	_ =	shalt  }
0x78: {  	_ =	shalt  }
0x79: {  	_ =	shalt  }
0x7a: {  	_ =	shalt  }
0x7b: {  	_ =	shalt  }
0x7c: {  	_ =	shalt  }
0x7d: {  	_ =	shalt  }
0x7e: {  	_ =	shalt  }
0x7f: {  	_ =	shalt  }
0x80: {  	_ =	shalt  }
0x81: {  	_ =	shalt  }
0x82: {  	_ =	shalt  }
0x83: {  	_ =	shalt  }
0x84: {  	_ =	shalt  }
0x85: {  	_ =	shalt  }
0x86: {  	_ =	shalt  }
0x87: {  	_ =	shalt  }
.Lfunc_end0:
.L_simem_size_0:
called_computation_lowered:
.L_overlay_start_0:
0x88: {  	s2 =	sld [smem:$0x3FD9]  }
0x89: {  	s3 =	sld [smem:$0x3FFE];
	_ =	sdelay $0x1  }
0x8a: {  	s1 =	srdreg.scid  }
0x8b: {  	s0 =	sand.u32 $0x1, s1  }
0x8c: {  	s18 =	sshll.u32 s0, $0xA;
	s2 =	sadd.s32 s3, s2  }
0x8d: {  	s2 =	sadd.s32 s2, s18  }
0x8e: {  	[smem:$0x3FC7] =	sst s2  }
0x8f: {  	_ = 	snop  }
0x90: {  	s2 =	sld [smem:$0x3FC9]  }
0x91: {  	s19 =	sld [smem:$0x3FD0];
	(tm) =	ssettm $0x1  }
0x92: {  	s4 =	sld [smem:$0x3FFB];
	_ =	sdelay $0x3  }
0x93: {  	_ =	strace s4  }
0x94: {  	s4 =	sld [smem:$0x3FFC];
	_ =	sdelay $0x3  }
0x95: {  	_ =	strace s4  }
0x96: {  	s4 =	sld [smem:$0x3FFD];
	_ =	sdelay $0x3  }
0x97: {  	_ =	strace s4  }
0x98: {  	_ =	strace $0x8FFFFFFF  }
0x99: {  	s20 =	sld [smem:$0x3FDB];
	_ =	sdelay $0x1  }
0x9a: {  	s5 =	simm.s32 $_scs_section_size  }
0x9b: {  	s6 =	simm.s32 $_size__tile_overlayer_lowered;
	s7 =	simm.s32 $_tile_overlayer_lowered  }
0x9c: {  	s23 =	simm.s32 $0x1BFF;
	s22 =	sshll.u32 s7, $0x1;
	s4 =	sadd.s32 s5, s20  }
0x9d: {  	s8 =	simm.s32 $0x0;
	s21 =	sshll.u32 s6, $0x1;
	s6 =	sadd.s32 s22, s4  }
0x9e: {  	[timem:s8], [sflag:s23] =	dma.local [hbm:s6], s21  }
0x9f: {  	_ =	swait.ge [sflag:s23], s21  }
0xa0: {  	s5 =	ssub.s32 $0x0, s21;
	[sflag:s23] =	ssyncset.done $0x0  }
0xa1: {  	[sflag:s23] =	ssyncadd.s32 s5;
	_ =	sdelay $0x1  }
0xa2: {  	s24 =	simm.s32 $0x1B8B  }
0xa3: {  	_ =	swait.ge [sflag:s24], $0x1  }
0xa4: {  	[sflag:s24] =	ssyncset.done $0x0  }
0xa5: {  	s25 =	simm.s32 $0x1B8E;
	[sflag:s24] =	ssyncadd.s32 $0xFFFFFFFF  }
0xa6: {  	s26 =	simm.s32 $execute0_lowered;
	[smem:$0x3FD2] =	sst s25  }
0xa7: {  	s5 =	sshll.u32 s26, $0x1;
	_ =	strace $0x80000046;
	[dreg:$0x1] =	wrdreg $0xFFFFFFFF  }
0xa8: {  	s28 =	simm.s32 $_size_execute0_lowered;
	s4 =	sadd.s32 s4, s5;
	[dreg:$0x0] =	wrdreg $0x0  }
0xa9: {  	s5 =	sshll.u32 s28, $0x1;
	[dreg:$0x2] =	wrdreg s4  }
0xaa: {  	[dreg:$0x3] =	wrdreg s5  }
0xab: {  	[dreg:$0x4] =	wrdreg $0xC0  }
0xac: {  	_ =	task [dreg:s8], $0x5FFFF  }
0xad: {  	[dreg:$0x1] =	wrdreg $0xFFFFFFFF  }
0xae: {  	[dreg:$0x0] =	wrdreg $0x60  }
0xaf: {  	[dreg:$0x2] =	wrdreg s2  }
0xb0: {  	[dreg:$0x3] =	wrdreg s19  }
0xb1: {  	[dreg:$0x4] =	wrdreg $0x9  }
0xb2: {  	_ =	task.clear_ibuf [dreg:s8], $0x5FFFF;
	_ =	strace $0x90000046  }
0xb3: {  	s29 =	simm.s32 $0x9;
	_ =	strace $0x80000048  }
0xb4: {  	_ =	swait.ge [sflag:s29], $0x1  }
0xb5: {  	[sflag:s29] =	ssyncadd.s32 $0xFFFFFFFF  }
0xb6: {  	_ =	strace $0x90000048  }
0xb7: {  	_ =	sfence  }
0xb8: {  	s30 =	sld [smem:$0x0];
	_ =	sdelay $0x2  }
0xb9: {  	s31 =	sshll.u32 s1, $0xD;
	s1 =	sshrl.u32 s1, $0x2  }
0xba: {  	s3 =	sand.u32 $0x4000, s31;
	s1 =	sadd.s32 s1, s30  }
0xbb: {  	s0 =	sor.u32 s3, s0;
	s1 =	sshll.u32 s1, $0x11  }
0xbc: {  	s0 =	sor.u32 s1, s0  }
0xbd: {  	s0 =	sadd.s32 $0x8F2B, s0  }
0xbe: {  	[sflag:s0] =	ssyncadd.remote.s32 $0x1  }
0xbf: {  	_ =	sfence.sel $0xFFFF  }
0xc0: {  	[dreg:$0x0] =	wrdreg $0xFFFFFFFF;
	(pc) =	sbr.abs _section_cstart, $3  }
0xc1: {  	[dreg:$0x1] =	wrdreg $0xFFFFFFFF  }
0xc2: {  	_ =	task.clear_ibuf [dreg:s8], $0x2FFFF;
	_ =	strace $0x9FFFFFFF  }
0xc3: {  	(tm) =	ssettm $0x7FFFFFFF  }
tec
execute0_lowered:
.L_overlay_start_1:
0x0: {  	(tag) =	ssettag $0x1  }
0x1: {  	s2 =	rddreg [dreg:$0x0]  }
0x2: {  	s5 =	rddreg [dreg:$0x1];
	s3 =	srdreg.scid  }
0x3: {  	s0 =	rddreg [dreg:$0x2];
	s1 =	stileid.u32;
	s9 =	simm.s32 $0x200  }
0x4: {  	s10 =	simm.s32 $0x8200;
	s11 =	simm.s32 $0x1;
	s12 =	simm.s32 $0x2  }
0x5: {  	s13 =	simm.s32 $0x3;
	s14 =	simm.s32 $0x4;
	s3 =	sand.u32 $0x1, s3  }
0x6: {  	s15 =	simm.s32 $0x0;
	s4 =	sshll.u32 s1, $0xE;
	s6 =	ssub.s32 $0x2, s3  }
0x7: {  	s7 =	sshll.u32 s3, $0xD;
	s3 =	simm.s32 $0x0;
	s8 =	sshrl.u32 s6, $0x1  }
0x8: {  	s4 =	sor.u32 s7, s4;
	[smem:$0x7FF] =	sst s3;
	s6 =	ssub.s32 s6, s8  }
0x9: {  	s7 =	sshll.u32 s4, $0x4;
	_ =	strace $0x80000047;
	s8 =	simm.s32 $0x100  }
0xa: {  	v0 =	vlaneseq.u32;
	s5 =	sadd.s32 s5, s7;
	s6 =	smax.u32 s6, $0x1;
	s7 =	sor.u32 $0x100, s4  }
.LBB2_1:
0xb: {  	s16 =	smov.u32 s7;
	s17 =	smov.u32 s4;
	s18 =	simm.s32 $0x0  }
.LBB2_2:
0xc: {  	p0 =	seq.s32 s18, $0x0;
	v2 =	vmov s17;
	v1 =	vor.u32 s17, v0  }
0xd: {  	s20 =	simm.s32 @!p0 $0x3;
	v2 =	vshrl.u32 v2, $0xF;
	v3 =	vshrl.u32 v1, $0x2  }
0xe: {  	_ =	swait.ge @!p0 [sflag:s20], $0x8000;
	v2 =	vand.u32 $0xFFFE, v2;
	v3 =	vand.u32 $0x1, v3  }
0xf: {  	s19 =	sshllo.u32 s18, $0x1;
	s21 =	simm.s32 $0x40;
	[sflag:s20] =	ssyncset.done @!p0 $0x0;
	v2 =	vor.u32 v2, v3  }
0x10: {  	s22 =	sadd.s32 $0x10, s17;
	v4 =	vshll.u32 v1, $0x1;
	v3 =	vand.u32 $0xFFF8, v1;
	[sflag:s20] =	ssyncadd.s32 @!p0 $0xFFFF8000;
	s20 =	simm.s32 $0x0;
	v2 =	vshll.u32 v2, $0x10  }
.LBB2_3:
0x11: {  	v5 =	vmov s22;
	v2 =	vor.u32 v3, v2;
	v3 =	vand.u32 $0x4, v4;
	s23 =	smov.u32 s21;
	p1 =	sne.s32 s21, $0x3C0  }
.Ltmp0:
0x12: {  	s21 =	sadd.s32 $0x40, s21;
	v2 =	vor.u32 v3, v2;
	v3 =	vand.u32 $0x1, v1;
	v1 =	vor.u32 s22, v0;
	(pc) =	sbr.rel @p1 .LBB2_3-.Ltmp0, $4  }
0x13: {  	s24 =	sshra.s32 s20, $0x2;
	v4 =	vshrl.u32 v5, $0xF;
	s20 =	smov.u32 s23;
	v5 =	vshrl.u32 v1, $0x2;
	v2 =	vor.u32 v3, v2  }
0x14: {  	v3 =	vand.u32 $0xFFFE, v4;
	v4 =	vand.u32 $0x1, v5;
	[tilespmem:s24+$0x0] =	vst v2  }
0x15: {  	v2 =	vor.u32 v3, v4  }
0x16: {  	s22 =	sadd.s32 $0x10, s22;
	v3 =	vand.u32 $0xFFF8, v1;
	v4 =	vshll.u32 v1, $0x1;
	v2 =	vshll.u32 v2, $0x10  }
0x17: {  	v2 =	vor.u32 v3, v2;
	v3 =	vand.u32 $0x4, v4  }
0x18: {  	v1 =	vand.u32 $0x1, v1;
	v2 =	vor.u32 v3, v2  }
0x19: {  	s20 =	sshra.s32 s20, $0x2;
	v1 =	vor.u32 v1, v2  }
0x1a: {  	v2 =	vmov s16;
	[tilespmem:s20+$0x0] =	vst v1;
	s20 =	simm.s32 @!p0 $0x4;
	v1 =	vor.u32 s16, v0  }
0x1b: {  	v2 =	vshrl.u32 v2, $0xF;
	[tilespmem:s9], [sflag:$0x1] =	stream.indirect.gather [hbm4b:s2+s8], $0x80, s3, s8, $0xb8;
	v3 =	vshrl.u32 v1, $0x2;
	[tilespmem:$0x10200] =	vst v63  }
0x1c: {  	v2 =	vand.u32 $0xFFFE, v2;
	_ =	swait.ge @!p0 [sflag:s20], $0x8000;
	v3 =	vand.u32 $0x1, v3  }
0x1d: {  	s21 =	simm.s32 $0x40;
	[sflag:s20] =	ssyncset.done @!p0 $0x0;
	v2 =	vor.u32 v2, v3  }
0x1e: {  	s22 =	sadd.s32 $0x10, s16;
	v4 =	vshll.u32 v1, $0x1;
	v3 =	vand.u32 $0xFFF8, v1;
	[sflag:s20] =	ssyncadd.s32 @!p0 $0xFFFF8000;
	s20 =	simm.s32 $0x0;
	v2 =	vshll.u32 v2, $0x10  }
.LBB2_5:
0x1f: {  	v5 =	vmov s22;
	v2 =	vor.u32 v3, v2;
	v3 =	vand.u32 $0x4, v4;
	s23 =	smov.u32 s21;
	p0 =	sne.s32 s21, $0x3C0  }
.Ltmp1:
0x20: {  	s21 =	sadd.s32 $0x40, s21;
	v2 =	vor.u32 v3, v2;
	v3 =	vand.u32 $0x1, v1;
	v1 =	vor.u32 s22, v0;
	(pc) =	sbr.rel @p0 .LBB2_5-.Ltmp1, $4  }
0x21: {  	s24 =	sshra.s32 s20, $0x2;
	v4 =	vshrl.u32 v5, $0xF;
	s20 =	smov.u32 s23;
	v5 =	vshrl.u32 v1, $0x2;
	v2 =	vor.u32 v3, v2  }
0x22: {  	v3 =	vand.u32 $0xFFFE, v4;
	v4 =	vand.u32 $0x1, v5;
	[tilespmem:s24+$0x100] =	vst v2  }
0x23: {  	v2 =	vor.u32 v3, v4  }
0x24: {  	s22 =	sadd.s32 $0x10, s22;
	v3 =	vand.u32 $0xFFF8, v1;
	v4 =	vshll.u32 v1, $0x1;
	v2 =	vshll.u32 v2, $0x10  }
0x25: {  	v2 =	vor.u32 v3, v2;
	v3 =	vand.u32 $0x4, v4  }
0x26: {  	v1 =	vand.u32 $0x1, v1;
	v2 =	vor.u32 v3, v2  }
0x27: {  	s20 =	sshra.s32 s20, $0x2;
	v1 =	vor.u32 v1, v2  }
0x28: {  	[tilespmem:s20+$0x100] =	vst v1  }
0x29: {  	[tilespmem:s10], [sflag:$0x2] =	stream.indirect.gather [hbm4b:s2+s8], $0x80, s8, s8, $0xb8;
	[tilespmem:$0x10200] =	vst v63  }
0x2a: {  	_ =	swait.ge [sflag:s11], $0x8000  }
0x2b: {  	s31 =	sshll.u32 s18, $0xD;
	s18 =	sadd.s32 $0x1, s18;
	[sflag:s11] =	ssyncset.done $0x0  }
0x2c: {  	p0 =	sne.s32 s18, $0x10;
	s20 =	sadd.s32 s31, s5;
	[sflag:s11] =	ssyncadd.s32 $0xFFFF8000  }
0x2d: {  	[hbm4b:s20+s3] =	stream.linear.scatter [tilespmem:s9], [sflag:$0x3], $0x8000, $0x38;
	[tilespmem:$0x10200] =	vst v63  }
.Ltmp2:
0x2e: {  	_ = 	snop;
	(pc) =	sbr.rel @p0 .LBB2_2-.Ltmp2, $4  }
0x2f: {  	_ =	swait.ge [sflag:s12], $0x8000  }
0x30: {  	s19 =	sshll.u32 s19, $0xC;
	s17 =	sadd.s32 $0x200, s17;
	[sflag:s12] =	ssyncset.done $0x0  }
0x31: {  	s16 =	sadd.s32 $0x200, s16;
	s19 =	sadd.s32 s19, s5;
	[sflag:s12] =	ssyncadd.s32 $0xFFFF8000  }
0x32: {  	[hbm4b:s19+s3] =	stream.linear.scatter [tilespmem:s10], [sflag:$0x4], $0x8000, $0x38;
	[tilespmem:$0x10200] =	vst v63  }
0x33: {  	s15 =	sadd.s32 $0x1, s15  }
0x34: {  	_ =	swait.ge [sflag:s13], $0x8000;
	p0 =	sne.s32 s15, s6  }
.Ltmp3:
0x35: {  	[sflag:s13] =	ssyncset.done $0x0;
	(pc) =	sbr.rel @p0 .LBB2_1-.Ltmp3, $4  }
0x36: {  	[sflag:s13] =	ssyncadd.s32 $0xFFFF8000  }
0x37: {  	_ =	swait.ge [sflag:s14], $0x8000  }
0x38: {  	[sflag:s14] =	ssyncset.done $0x0  }
0x39: {  	[sflag:s14] =	ssyncadd.s32 $0xFFFF8000  }
0x3a: {  	_ =	sfence.sel $0x180000  }
0x3b: {  	[bflag:$0x0] =	sbarrier.arrive $0xFFFF  }
0x3c: {  	p0 =	sne.s32 s1, $0x0;
	_ =	strace $0x90000047  }
0x3d: {  	s0 =	sadd.s32 @!p0 $0x100000, s0;
	[bflag:$0x2] =	sbarrier.arrive $0xFFFF  }
0x3e: {  	[sflag:s0] =	ssyncadd.tile.s32 @!p0 $0x1;
	_ =	shalt  }
.Lfunc_end2:
_tile_overlayer_lowered:
.L_overlay_start_2:
0x3f: {  	(tag) =	ssettag $0x2  }
0x40: {  	s0 =	rddreg [dreg:$0x0];
	s2 =	stileid.u32  }
0x41: {  	s1 =	rddreg [dreg:$0x1];
	p0 =	sne.s32 s2, $0x0  }
0x42: {  	s3 =	rddreg [dreg:$0x2];
	[bflag:$0x3] =	sbarrier.arrive $0xFFFF;
	s2 =	simm.s32 @!p0 $0x1C05  }
0x43: {  	[timem:s3], [sflag:s2] =	dma.local @!p0 [hbm:s0], s1  }
0x44: {  	s0 =	simm.s32 @!p0 $0x5  }
0x45: {  	_ =	swait.ge @!p0 [sflag:s0], s1  }
0x46: {  	s1 =	ssub.s32 @!p0 $0x0, s1;
	[sflag:s0] =	ssyncset.done @!p0 $0x0  }
0x47: {  	[sflag:s0] =	ssyncadd.s32 @!p0 s1  }
0x48: {  	[bflag:$0x3] =	sbarrier.arrive $0xFFFF  }
0x49: {  	_ =	shalt  }

</sc_bundles>
